<compile_context>
chip_gen: v7x
topology: tpu7x:2x2x1
jax: 0.10.2.dev20260603
libtpu: 0.0.44.dev20260713+nightly
codegen_flags: <defaults>
</compile_context>

<pallas_src>
import functools

import jax
import jax.numpy as jnp
from jax import lax
from jax.experimental import pallas as pl
from jax.experimental.pallas import tpu as pltpu
from jax.experimental.pallas import tpu_sc as plsc

_ROWS, _COLS = 16384, 1024
_K = 128
_L = 16
_NC, _NS = 2, 16
_NW = _NC * _NS
_R = 32
_RPW = _ROWS // _NW
_S = _RPW // _R
_NBUF = 2
_LAG = 1

_mesh = plsc.VectorSubcoreMesh(core_axis_name="c", subcore_axis_name="s")


@functools.partial(
    pl.kernel,
    out_type=jax.ShapeDtypeStruct((_ROWS, _COLS), jnp.float32),
    mesh=_mesh,
    compiler_params=pltpu.CompilerParams(needs_layout_passes=False),
    scratch_types=[
        [pltpu.VMEM((_R, _COLS), jnp.float32) for _ in range(_NBUF)],
        [pltpu.VMEM((_R, _K), jnp.int32) for _ in range(_NBUF)],
        pltpu.VMEM((_L,), jnp.float32),
        [pltpu.SemaphoreType.DMA for _ in range(_NBUF)],
        [pltpu.SemaphoreType.DMA for _ in range(_NBUF)],
    ],
)
def _scatter_rows(x_hbm, idx_hbm, val_hbm, out_hbm, xbufs, ibufs, vbuf,
                  ldsems, stsems):
    wid = lax.axis_index("s") * _NC + lax.axis_index("c")
    cbase = wid * _S

    def load(c, b):
        r0 = (cbase + c) * _R
        pltpu.async_copy(x_hbm.at[pl.ds(r0, _R)], xbufs[b], ldsems[b])
        pltpu.async_copy(idx_hbm.at[pl.ds(r0, _R)], ibufs[b], ldsems[b])

    def wait_load(c, b):
        r0 = (cbase + c) * _R
        pltpu.make_async_copy(x_hbm.at[pl.ds(r0, _R)], xbufs[b],
                              ldsems[b]).wait()
        pltpu.make_async_copy(idx_hbm.at[pl.ds(r0, _R)], ibufs[b],
                              ldsems[b]).wait()

    def store(c, b):
        r0 = (cbase + c) * _R
        pltpu.async_copy(xbufs[b], out_hbm.at[pl.ds(r0, _R)], stsems[b])

    def wait_store(c, b):
        r0 = (cbase + c) * _R
        pltpu.make_async_copy(xbufs[b], out_hbm.at[pl.ds(r0, _R)],
                              stsems[b]).wait()

    def scatter(b):
        @plsc.parallel_loop(0, _R * (_K // _L), unroll=8)
        def _(p):
            r = p >> 3
            j = p & 7
            rowv = jnp.broadcast_to(r, (_L,))
            colv = ibufs[b][r, pl.ds(j * _L, _L)]
            plsc.store_scatter(xbufs[b], [rowv, colv], val)

    for b in range(_NBUF):
        load(b, b)
    pltpu.sync_copy(val_hbm, vbuf)
    val = vbuf[...]

    def outer(o, carry):
        for b in range(_NBUF):
            s = o * _NBUF + b
            br = (b - _LAG) % _NBUF

            @pl.when((s >= _LAG) & (s + _NBUF - _LAG < _S))
            def _():
                wait_store(s - _LAG, br)
                load(s + _NBUF - _LAG, br)

            wait_load(s, b)
            scatter(b)
            store(s, b)
        return carry

    lax.fori_loop(0, _S // _NBUF, outer, 0)

    for i in range(_NBUF):
        c = _S - _NBUF + i
        wait_store(c, c % _NBUF)


def kernel(x, dim, index, value, out):
    del dim, out
    vals = jnp.broadcast_to(jnp.asarray(value, jnp.float32), (_L,))
    return _scatter_rows(x, index, vals)

# --- scband reference (transcript-rebuilt; emitter-appended) ---
"""Pipeline reference for scband-torch-ops-aten-scatter-value-out-module-53987738911137 (READ-ONLY COPY).

The authoritative reference and input builder live on the scoring server;
editing this copy changes nothing except your own understanding.
"""

import jax, jax.numpy as jnp
import numpy as np


def setup_inputs(seed: int = 0) -> dict:
    key = jax.random.key(seed)
    k1, k2 = jax.random.split(key)
    x = jax.random.normal(k1, (16384, 1024), dtype=jnp.float32)
    index = jax.random.randint(k2, (16384, 128), 0, 1024, dtype=jnp.int32)
    out = jnp.zeros((16384, 1024), dtype=jnp.float32)
    return {"x": x, "dim": 1, "index": index, "value": 1, "out": out}


def reference(x, dim, index, value, out):
    # torch.ops.aten.scatter.value_out(x, dim, index, value, out=out):
    # result starts as a copy of x; for dim=1:
    #   result[i, index[i, j]] = value  for all i, j
    # The preexisting contents of `out` are fully overwritten by the result.
    rows = jnp.arange(x.shape[0])[:, None]  # [B, 1] broadcast against index [B, K]
    res = x.at[rows, index].set(jnp.asarray(value, dtype=jnp.float32))
    return jnp.where(dim == 1, res, x)

if __name__ == "__main__":
    import jax
    _d = setup_inputs()
    print(jax.jit(kernel)(*tuple(_d.values())))

</pallas_src>

<mosaic_0001>
#map = affine_map<(d0, d1) -> (0, 0)>
#map1 = affine_map<(d0, d1) -> (0)>
module attributes {stable_mosaic.version = 14 : i64} {
  func.func @_scatter_rows(%arg0: i32, %arg1: i32, %arg2: memref<16384x1024xf32, #tpu.memory_space<hbm>>, %arg3: memref<16384x128xi32, #tpu.memory_space<hbm>>, %arg4: memref<16xf32, #tpu.memory_space<hbm>>, %arg5: memref<16384x1024xf32, #tpu.memory_space<hbm>>, %arg6: memref<32x1024xf32, #tpu.memory_space<vmem>>, %arg7: memref<32x1024xf32, #tpu.memory_space<vmem>>, %arg8: memref<32x128xi32, #tpu.memory_space<vmem>>, %arg9: memref<32x128xi32, #tpu.memory_space<vmem>>, %arg10: memref<16xf32, #tpu.memory_space<vmem>>, %arg11: memref<!tpu.dma_semaphore, #tpu.memory_space<semaphore_mem>>, %arg12: memref<!tpu.dma_semaphore, #tpu.memory_space<semaphore_mem>>, %arg13: memref<!tpu.dma_semaphore, #tpu.memory_space<semaphore_mem>>, %arg14: memref<!tpu.dma_semaphore, #tpu.memory_space<semaphore_mem>>) attributes {dimension_semantics = [#tpu.dimension_semantics<core_parallel>, #tpu.dimension_semantics<subcore_parallel>], iteration_bounds = array<i64: 2, 16>, scalar_prefetch = 0 : i64, scratch_operands = 9 : i64, tpu.core_type = #tpu.core_type<sc_vector_subcore>, window_params = [{transform_indices = #map}, {transform_indices = #map}, {transform_indices = #map1}, {transform_indices = #map}]} {
    %mul3A = arith.constant 2 : i32
    %mul3A_0 = arith.muli %arg1, %mul3A : i32
    %add3A = arith.addi %mul3A_0, %arg0 : i32
    %mul3A_1 = arith.constant 16 : i32
    %mul3A_2 = arith.muli %add3A, %mul3A_1 : i32
    %add3A_3 = arith.constant 0 : i32
    %add3A_4 = arith.addi %mul3A_2, %add3A_3 : i32
    %mul3A_5 = arith.constant 32 : i32
    %mul3A_6 = arith.muli %add3A_4, %mul3A_5 : i32
    %dma_start3A = arith.constant 0 : i32
    %dma_start3A_7 = tpu.memref_slice %arg2[%mul3A_6, %dma_start3A] : memref<16384x1024xf32, #tpu.memory_space<hbm>> -> memref<32x1024xf32, #tpu.memory_space<hbm>>
    %dma_start3A_8 = arith.constant 0 : i32
    %dma_start3A_9 = tpu.memref_slice %arg2[%mul3A_6, %dma_start3A_8] : memref<16384x1024xf32, #tpu.memory_space<hbm>> -> memref<32x1024xf32, #tpu.memory_space<hbm>>
    tpu.enqueue_dma source(%dma_start3A_9 : memref<32x1024xf32, #tpu.memory_space<hbm>>) target(%arg6 : memref<32x1024xf32, #tpu.memory_space<vmem>>) target_semaphore(%arg11 : memref<!tpu.dma_semaphore, #tpu.memory_space<semaphore_mem>>)
    %dma_start3A_10 = arith.constant 0 : i32
    %dma_start3A_11 = tpu.memref_slice %arg3[%mul3A_6, %dma_start3A_10] : memref<16384x128xi32, #tpu.memory_space<hbm>> -> memref<32x128xi32, #tpu.memory_space<hbm>>
    %dma_start3A_12 = arith.constant 0 : i32
    %dma_start3A_13 = tpu.memref_slice %arg3[%mul3A_6, %dma_start3A_12] : memref<16384x128xi32, #tpu.memory_space<hbm>> -> memref<32x128xi32, #tpu.memory_space<hbm>>
    tpu.enqueue_dma source(%dma_start3A_13 : memref<32x128xi32, #tpu.memory_space<hbm>>) target(%arg8 : memref<32x128xi32, #tpu.memory_space<vmem>>) target_semaphore(%arg11 : memref<!tpu.dma_semaphore, #tpu.memory_space<semaphore_mem>>)
    %add3A_14 = arith.constant 1 : i32
    %add3A_15 = arith.addi %mul3A_2, %add3A_14 : i32
    %mul3A_16 = arith.constant 32 : i32
    %mul3A_17 = arith.muli %add3A_15, %mul3A_16 : i32
    %dma_start3A_18 = arith.constant 0 : i32
    %dma_start3A_19 = tpu.memref_slice %arg2[%mul3A_17, %dma_start3A_18] : memref<16384x1024xf32, #tpu.memory_space<hbm>> -> memref<32x1024xf32, #tpu.memory_space<hbm>>
    %dma_start3A_20 = arith.constant 0 : i32
    %dma_start3A_21 = tpu.memref_slice %arg2[%mul3A_17, %dma_start3A_20] : memref<16384x1024xf32, #tpu.memory_space<hbm>> -> memref<32x1024xf32, #tpu.memory_space<hbm>>
    tpu.enqueue_dma source(%dma_start3A_21 : memref<32x1024xf32, #tpu.memory_space<hbm>>) target(%arg7 : memref<32x1024xf32, #tpu.memory_space<vmem>>) target_semaphore(%arg12 : memref<!tpu.dma_semaphore, #tpu.memory_space<semaphore_mem>>)
    %dma_start3A_22 = arith.constant 0 : i32
    %dma_start3A_23 = tpu.memref_slice %arg3[%mul3A_17, %dma_start3A_22] : memref<16384x128xi32, #tpu.memory_space<hbm>> -> memref<32x128xi32, #tpu.memory_space<hbm>>
    %dma_start3A_24 = arith.constant 0 : i32
    %dma_start3A_25 = tpu.memref_slice %arg3[%mul3A_17, %dma_start3A_24] : memref<16384x128xi32, #tpu.memory_space<hbm>> -> memref<32x128xi32, #tpu.memory_space<hbm>>
    tpu.enqueue_dma source(%dma_start3A_25 : memref<32x128xi32, #tpu.memory_space<hbm>>) target(%arg9 : memref<32x128xi32, #tpu.memory_space<vmem>>) target_semaphore(%arg12 : memref<!tpu.dma_semaphore, #tpu.memory_space<semaphore_mem>>)
    "tpu.region"() ({
      %run_scoped3A = tpu.sem_alloc : memref<!tpu.dma_semaphore, #tpu.memory_space<semaphore_mem>>
      tpu.enqueue_dma source(%arg4 : memref<16xf32, #tpu.memory_space<hbm>>) target(%arg10 : memref<16xf32, #tpu.memory_space<vmem>>) target_semaphore(%run_scoped3A : memref<!tpu.dma_semaphore, #tpu.memory_space<semaphore_mem>>)
      tpu.wait_dma2 semaphore(%run_scoped3A : memref<!tpu.dma_semaphore, #tpu.memory_space<semaphore_mem>>) src(%arg4 : memref<16xf32, #tpu.memory_space<hbm>>) dst(%arg10 : memref<16xf32, #tpu.memory_space<vmem>>)
      tpu.yield
    }) : () -> ()
    %get3A = arith.constant 0 : index
    %get3A_26 = tpu.vector_load %arg10[%get3A] {strides = array<i32>} : memref<16xf32, #tpu.memory_space<vmem>>, vector<16xf32>,
    %scan3A = arith.constant 0 : i32
    %scan3A_27 = arith.constant 0 : i32
    %scan3A_28 = arith.constant 8 : i32
    %scan3A_29 = arith.addi %scan3A_27, %scan3A_28 : i32
    %scan3A_30 = arith.constant 1 : i32
    scf.for %scan3A_47 = %scan3A_27 to %scan3A_29 step %scan3A_30  : i32 {
      %mul3A_48 = arith.constant 2 : i32
      %mul3A_49 = arith.muli %scan3A_47, %mul3A_48 : i32
      %add3A_50 = arith.constant 0 : i32
      %add3A_51 = arith.addi %mul3A_49, %add3A_50 : i32
      %ge3A = arith.constant 1 : i32
      %ge3A_52 = arith.cmpi sge, %add3A_51, %ge3A : i32
      %add3A_53 = arith.constant 2 : i32
      %add3A_54 = arith.addi %add3A_51, %add3A_53 : i32
      %sub3A = arith.constant 1 : i32
      %sub3A_55 = arith.subi %add3A_54, %sub3A : i32
      %lt3A = arith.constant 16 : i32
      %lt3A_56 = arith.cmpi slt, %sub3A_55, %lt3A : i32
      %and3A = arith.andi %ge3A_52, %lt3A_56 : i1
      %convert_element_type3A = arith.extui %and3A : i1 to i32
      %cond3A = arith.constant 0 : i32
      %cond3A_57 = arith.cmpi ne, %convert_element_type3A, %cond3A : i32
      scf.if %cond3A_57 {
        %sub3A_115 = arith.constant 1 : i32
        %sub3A_116 = arith.subi %add3A_51, %sub3A_115 : i32
        %add3A_117 = arith.addi %mul3A_2, %sub3A_116 : i32
        %mul3A_118 = arith.constant 32 : i32
        %mul3A_119 = arith.muli %add3A_117, %mul3A_118 : i32
        %dma_wait3A_120 = arith.constant 0 : i32
        %dma_wait3A_121 = tpu.memref_slice %arg5[%mul3A_119, %dma_wait3A_120] : memref<16384x1024xf32, #tpu.memory_space<hbm>> -> memref<32x1024xf32, #tpu.memory_space<hbm>>
        %dma_wait3A_122 = arith.constant 0 : i32
        %dma_wait3A_123 = tpu.memref_slice %arg5[%mul3A_119, %dma_wait3A_122] : memref<16384x1024xf32, #tpu.memory_space<hbm>> -> memref<32x1024xf32, #tpu.memory_space<hbm>>
        tpu.wait_dma2 semaphore(%arg14 : memref<!tpu.dma_semaphore, #tpu.memory_space<semaphore_mem>>) src(%arg7 : memref<32x1024xf32, #tpu.memory_space<vmem>>) dst(%dma_wait3A_123 : memref<32x1024xf32, #tpu.memory_space<hbm>>)
        %add3A_124 = arith.constant 2 : i32
        %add3A_125 = arith.addi %add3A_51, %add3A_124 : i32
        %sub3A_126 = arith.constant 1 : i32
        %sub3A_127 = arith.subi %add3A_125, %sub3A_126 : i32
        %add3A_128 = arith.addi %mul3A_2, %sub3A_127 : i32
        %mul3A_129 = arith.constant 32 : i32
        %mul3A_130 = arith.muli %add3A_128, %mul3A_129 : i32
        %dma_start3A_131 = arith.constant 0 : i32
        %dma_start3A_132 = tpu.memref_slice %arg2[%mul3A_130, %dma_start3A_131] : memref<16384x1024xf32, #tpu.memory_space<hbm>> -> memref<32x1024xf32, #tpu.memory_space<hbm>>
        %dma_start3A_133 = arith.constant 0 : i32
        %dma_start3A_134 = tpu.memref_slice %arg2[%mul3A_130, %dma_start3A_133] : memref<16384x1024xf32, #tpu.memory_space<hbm>> -> memref<32x1024xf32, #tpu.memory_space<hbm>>
        tpu.enqueue_dma source(%dma_start3A_134 : memref<32x1024xf32, #tpu.memory_space<hbm>>) target(%arg7 : memref<32x1024xf32, #tpu.memory_space<vmem>>) target_semaphore(%arg12 : memref<!tpu.dma_semaphore, #tpu.memory_space<semaphore_mem>>)
        %dma_start3A_135 = arith.constant 0 : i32
        %dma_start3A_136 = tpu.memref_slice %arg3[%mul3A_130, %dma_start3A_135] : memref<16384x128xi32, #tpu.memory_space<hbm>> -> memref<32x128xi32, #tpu.memory_space<hbm>>
        %dma_start3A_137 = arith.constant 0 : i32
        %dma_start3A_138 = tpu.memref_slice %arg3[%mul3A_130, %dma_start3A_137] : memref<16384x128xi32, #tpu.memory_space<hbm>> -> memref<32x128xi32, #tpu.memory_space<hbm>>
        tpu.enqueue_dma source(%dma_start3A_138 : memref<32x128xi32, #tpu.memory_space<hbm>>) target(%arg9 : memref<32x128xi32, #tpu.memory_space<vmem>>) target_semaphore(%arg12 : memref<!tpu.dma_semaphore, #tpu.memory_space<semaphore_mem>>)
      } else {
      }
      %add3A_58 = arith.addi %mul3A_2, %add3A_51 : i32
      %mul3A_59 = arith.constant 32 : i32
      %mul3A_60 = arith.muli %add3A_58, %mul3A_59 : i32
      %dma_wait3A_61 = arith.constant 0 : i32
      %dma_wait3A_62 = tpu.memref_slice %arg2[%mul3A_60, %dma_wait3A_61] : memref<16384x1024xf32, #tpu.memory_space<hbm>> -> memref<32x1024xf32, #tpu.memory_space<hbm>>
      %dma_wait3A_63 = arith.constant 0 : i32
      %dma_wait3A_64 = tpu.memref_slice %arg2[%mul3A_60, %dma_wait3A_63] : memref<16384x1024xf32, #tpu.memory_space<hbm>> -> memref<32x1024xf32, #tpu.memory_space<hbm>>
      tpu.wait_dma2 semaphore(%arg11 : memref<!tpu.dma_semaphore, #tpu.memory_space<semaphore_mem>>) src(%dma_wait3A_64 : memref<32x1024xf32, #tpu.memory_space<hbm>>) dst(%arg6 : memref<32x1024xf32, #tpu.memory_space<vmem>>)
      %dma_wait3A_65 = arith.constant 0 : i32
      %dma_wait3A_66 = tpu.memref_slice %arg3[%mul3A_60, %dma_wait3A_65] : memref<16384x128xi32, #tpu.memory_space<hbm>> -> memref<32x128xi32, #tpu.memory_space<hbm>>
      %dma_wait3A_67 = arith.constant 0 : i32
      %dma_wait3A_68 = tpu.memref_slice %arg3[%mul3A_60, %dma_wait3A_67] : memref<16384x128xi32, #tpu.memory_space<hbm>> -> memref<32x128xi32, #tpu.memory_space<hbm>>
      tpu.wait_dma2 semaphore(%arg11 : memref<!tpu.dma_semaphore, #tpu.memory_space<semaphore_mem>>) src(%dma_wait3A_68 : memref<32x128xi32, #tpu.memory_space<hbm>>) dst(%arg8 : memref<32x128xi32, #tpu.memory_space<vmem>>)
      %parallel_loop3A = arith.constant 0 : i32
      %parallel_loop3A_69 = arith.constant 256 : i32
      %parallel_loop3A_70 = arith.constant 1 : i32
      scf.for %parallel_loop3A_115 = %parallel_loop3A to %parallel_loop3A_69 step %parallel_loop3A_70  : i32 {
        %parallel_loop3A_116 = arith.constant 3 : i32
        %parallel_loop3A_117 = arith.shrsi %parallel_loop3A_115, %parallel_loop3A_116 : i32
        %parallel_loop3A_118 = arith.constant 7 : i32
        %parallel_loop3A_119 = arith.andi %parallel_loop3A_115, %parallel_loop3A_118 : i32
        %parallel_loop3A_120 = vector.broadcast %parallel_loop3A_117 : i32 to vector<16xi32>
        %parallel_loop3A_121 = arith.constant 16 : i32
        %parallel_loop3A_122 = arith.muli %parallel_loop3A_119, %parallel_loop3A_121 : i32
        %parallel_loop3A_123 = arith.index_cast %parallel_loop3A_117 : i32 to index
        %parallel_loop3A_124 = arith.index_cast %parallel_loop3A_122 : i32 to index
        %parallel_loop3A_125 = tpu.vector_load %arg8[%parallel_loop3A_123, %parallel_loop3A_124] {strides = array<i32>} : memref<32x128xi32, #tpu.memory_space<vmem>>, vector<16xi32>,
        tpu.vector_store_idx %arg6[%parallel_loop3A_120, %parallel_loop3A_125], %get3A_26 : memref<32x1024xf32, #tpu.memory_space<vmem>>[vector<16xi32>, vector<16xi32>], vector<16xf32>,
      } {sc.loop_unroll_factor = 8 : i64, sc.parallel_access}
      %add3A_71 = arith.addi %mul3A_2, %add3A_51 : i32
      %mul3A_72 = arith.constant 32 : i32
      %mul3A_73 = arith.muli %add3A_71, %mul3A_72 : i32
      %dma_start3A_74 = arith.constant 0 : i32
      %dma_start3A_75 = tpu.memref_slice %arg5[%mul3A_73, %dma_start3A_74] : memref<16384x1024xf32, #tpu.memory_space<hbm>> -> memref<32x1024xf32, #tpu.memory_space<hbm>>
      %dma_start3A_76 = arith.constant 0 : i32
      %dma_start3A_77 = tpu.memref_slice %arg5[%mul3A_73, %dma_start3A_76] : memref<16384x1024xf32, #tpu.memory_space<hbm>> -> memref<32x1024xf32, #tpu.memory_space<hbm>>
      tpu.enqueue_dma source(%arg6 : memref<32x1024xf32, #tpu.memory_space<vmem>>) target(%dma_start3A_77 : memref<32x1024xf32, #tpu.memory_space<hbm>>) target_semaphore(%arg13 : memref<!tpu.dma_semaphore, #tpu.memory_space<semaphore_mem>>)
      %mul3A_78 = arith.constant 2 : i32
      %mul3A_79 = arith.muli %scan3A_47, %mul3A_78 : i32
      %add3A_80 = arith.constant 1 : i32
      %add3A_81 = arith.addi %mul3A_79, %add3A_80 : i32
      %ge3A_82 = arith.constant 1 : i32
      %ge3A_83 = arith.cmpi sge, %add3A_81, %ge3A_82 : i32
      %add3A_84 = arith.constant 2 : i32
      %add3A_85 = arith.addi %add3A_81, %add3A_84 : i32
      %sub3A_86 = arith.constant 1 : i32
      %sub3A_87 = arith.subi %add3A_85, %sub3A_86 : i32
      %lt3A_88 = arith.constant 16 : i32
      %lt3A_89 = arith.cmpi slt, %sub3A_87, %lt3A_88 : i32
      %and3A_90 = arith.andi %ge3A_83, %lt3A_89 : i1
      %convert_element_type3A_91 = arith.extui %and3A_90 : i1 to i32
      %cond3A_92 = arith.constant 0 : i32
      %cond3A_93 = arith.cmpi ne, %convert_element_type3A_91, %cond3A_92 : i32
      scf.if %cond3A_93 {
        %sub3A_115 = arith.constant 1 : i32
        %sub3A_116 = arith.subi %add3A_81, %sub3A_115 : i32
        %add3A_117 = arith.addi %mul3A_2, %sub3A_116 : i32
        %mul3A_118 = arith.constant 32 : i32
        %mul3A_119 = arith.muli %add3A_117, %mul3A_118 : i32
        %dma_wait3A_120 = arith.constant 0 : i32
        %dma_wait3A_121 = tpu.memref_slice %arg5[%mul3A_119, %dma_wait3A_120] : memref<16384x1024xf32, #tpu.memory_space<hbm>> -> memref<32x1024xf32, #tpu.memory_space<hbm>>
        %dma_wait3A_122 = arith.constant 0 : i32
        %dma_wait3A_123 = tpu.memref_slice %arg5[%mul3A_119, %dma_wait3A_122] : memref<16384x1024xf32, #tpu.memory_space<hbm>> -> memref<32x1024xf32, #tpu.memory_space<hbm>>
        tpu.wait_dma2 semaphore(%arg13 : memref<!tpu.dma_semaphore, #tpu.memory_space<semaphore_mem>>) src(%arg6 : memref<32x1024xf32, #tpu.memory_space<vmem>>) dst(%dma_wait3A_123 : memref<32x1024xf32, #tpu.memory_space<hbm>>)
        %add3A_124 = arith.constant 2 : i32
        %add3A_125 = arith.addi %add3A_81, %add3A_124 : i32
        %sub3A_126 = arith.constant 1 : i32
        %sub3A_127 = arith.subi %add3A_125, %sub3A_126 : i32
        %add3A_128 = arith.addi %mul3A_2, %sub3A_127 : i32
        %mul3A_129 = arith.constant 32 : i32
        %mul3A_130 = arith.muli %add3A_128, %mul3A_129 : i32
        %dma_start3A_131 = arith.constant 0 : i32
        %dma_start3A_132 = tpu.memref_slice %arg2[%mul3A_130, %dma_start3A_131] : memref<16384x1024xf32, #tpu.memory_space<hbm>> -> memref<32x1024xf32, #tpu.memory_space<hbm>>
        %dma_start3A_133 = arith.constant 0 : i32
        %dma_start3A_134 = tpu.memref_slice %arg2[%mul3A_130, %dma_start3A_133] : memref<16384x1024xf32, #tpu.memory_space<hbm>> -> memref<32x1024xf32, #tpu.memory_space<hbm>>
        tpu.enqueue_dma source(%dma_start3A_134 : memref<32x1024xf32, #tpu.memory_space<hbm>>) target(%arg6 : memref<32x1024xf32, #tpu.memory_space<vmem>>) target_semaphore(%arg11 : memref<!tpu.dma_semaphore, #tpu.memory_space<semaphore_mem>>)
        %dma_start3A_135 = arith.constant 0 : i32
        %dma_start3A_136 = tpu.memref_slice %arg3[%mul3A_130, %dma_start3A_135] : memref<16384x128xi32, #tpu.memory_space<hbm>> -> memref<32x128xi32, #tpu.memory_space<hbm>>
        %dma_start3A_137 = arith.constant 0 : i32
        %dma_start3A_138 = tpu.memref_slice %arg3[%mul3A_130, %dma_start3A_137] : memref<16384x128xi32, #tpu.memory_space<hbm>> -> memref<32x128xi32, #tpu.memory_space<hbm>>
        tpu.enqueue_dma source(%dma_start3A_138 : memref<32x128xi32, #tpu.memory_space<hbm>>) target(%arg8 : memref<32x128xi32, #tpu.memory_space<vmem>>) target_semaphore(%arg11 : memref<!tpu.dma_semaphore, #tpu.memory_space<semaphore_mem>>)
      } else {
      }
      %add3A_94 = arith.addi %mul3A_2, %add3A_81 : i32
      %mul3A_95 = arith.constant 32 : i32
      %mul3A_96 = arith.muli %add3A_94, %mul3A_95 : i32
      %dma_wait3A_97 = arith.constant 0 : i32
      %dma_wait3A_98 = tpu.memref_slice %arg2[%mul3A_96, %dma_wait3A_97] : memref<16384x1024xf32, #tpu.memory_space<hbm>> -> memref<32x1024xf32, #tpu.memory_space<hbm>>
      %dma_wait3A_99 = arith.constant 0 : i32
      %dma_wait3A_100 = tpu.memref_slice %arg2[%mul3A_96, %dma_wait3A_99] : memref<16384x1024xf32, #tpu.memory_space<hbm>> -> memref<32x1024xf32, #tpu.memory_space<hbm>>
      tpu.wait_dma2 semaphore(%arg12 : memref<!tpu.dma_semaphore, #tpu.memory_space<semaphore_mem>>) src(%dma_wait3A_100 : memref<32x1024xf32, #tpu.memory_space<hbm>>) dst(%arg7 : memref<32x1024xf32, #tpu.memory_space<vmem>>)
      %dma_wait3A_101 = arith.constant 0 : i32
      %dma_wait3A_102 = tpu.memref_slice %arg3[%mul3A_96, %dma_wait3A_101] : memref<16384x128xi32, #tpu.memory_space<hbm>> -> memref<32x128xi32, #tpu.memory_space<hbm>>
      %dma_wait3A_103 = arith.constant 0 : i32
      %dma_wait3A_104 = tpu.memref_slice %arg3[%mul3A_96, %dma_wait3A_103] : memref<16384x128xi32, #tpu.memory_space<hbm>> -> memref<32x128xi32, #tpu.memory_space<hbm>>
      tpu.wait_dma2 semaphore(%arg12 : memref<!tpu.dma_semaphore, #tpu.memory_space<semaphore_mem>>) src(%dma_wait3A_104 : memref<32x128xi32, #tpu.memory_space<hbm>>) dst(%arg9 : memref<32x128xi32, #tpu.memory_space<vmem>>)
      %parallel_loop3A_105 = arith.constant 0 : i32
      %parallel_loop3A_106 = arith.constant 256 : i32
      %parallel_loop3A_107 = arith.constant 1 : i32
      scf.for %parallel_loop3A_115 = %parallel_loop3A_105 to %parallel_loop3A_106 step %parallel_loop3A_107  : i32 {
        %parallel_loop3A_116 = arith.constant 3 : i32
        %parallel_loop3A_117 = arith.shrsi %parallel_loop3A_115, %parallel_loop3A_116 : i32
        %parallel_loop3A_118 = arith.constant 7 : i32
        %parallel_loop3A_119 = arith.andi %parallel_loop3A_115, %parallel_loop3A_118 : i32
        %parallel_loop3A_120 = vector.broadcast %parallel_loop3A_117 : i32 to vector<16xi32>
        %parallel_loop3A_121 = arith.constant 16 : i32
        %parallel_loop3A_122 = arith.muli %parallel_loop3A_119, %parallel_loop3A_121 : i32
        %parallel_loop3A_123 = arith.index_cast %parallel_loop3A_117 : i32 to index
        %parallel_loop3A_124 = arith.index_cast %parallel_loop3A_122 : i32 to index
        %parallel_loop3A_125 = tpu.vector_load %arg9[%parallel_loop3A_123, %parallel_loop3A_124] {strides = array<i32>} : memref<32x128xi32, #tpu.memory_space<vmem>>, vector<16xi32>,
        tpu.vector_store_idx %arg7[%parallel_loop3A_120, %parallel_loop3A_125], %get3A_26 : memref<32x1024xf32, #tpu.memory_space<vmem>>[vector<16xi32>, vector<16xi32>], vector<16xf32>,
      } {sc.loop_unroll_factor = 8 : i64, sc.parallel_access}
      %add3A_108 = arith.addi %mul3A_2, %add3A_81 : i32
      %mul3A_109 = arith.constant 32 : i32
      %mul3A_110 = arith.muli %add3A_108, %mul3A_109 : i32
      %dma_start3A_111 = arith.constant 0 : i32
      %dma_start3A_112 = tpu.memref_slice %arg5[%mul3A_110, %dma_start3A_111] : memref<16384x1024xf32, #tpu.memory_space<hbm>> -> memref<32x1024xf32, #tpu.memory_space<hbm>>
      %dma_start3A_113 = arith.constant 0 : i32
      %dma_start3A_114 = tpu.memref_slice %arg5[%mul3A_110, %dma_start3A_113] : memref<16384x1024xf32, #tpu.memory_space<hbm>> -> memref<32x1024xf32, #tpu.memory_space<hbm>>
      tpu.enqueue_dma source(%arg7 : memref<32x1024xf32, #tpu.memory_space<vmem>>) target(%dma_start3A_114 : memref<32x1024xf32, #tpu.memory_space<hbm>>) target_semaphore(%arg14 : memref<!tpu.dma_semaphore, #tpu.memory_space<semaphore_mem>>)
    }
    %scan3A_31 = arith.constant 8 : i32
    %add3A_32 = arith.constant 14 : i32
    %add3A_33 = arith.addi %mul3A_2, %add3A_32 : i32
    %mul3A_34 = arith.constant 32 : i32
    %mul3A_35 = arith.muli %add3A_33, %mul3A_34 : i32
    %dma_wait3A = arith.constant 0 : i32
    %dma_wait3A_36 = tpu.memref_slice %arg5[%mul3A_35, %dma_wait3A] : memref<16384x1024xf32, #tpu.memory_space<hbm>> -> memref<32x1024xf32, #tpu.memory_space<hbm>>
    %dma_wait3A_37 = arith.constant 0 : i32
    %dma_wait3A_38 = tpu.memref_slice %arg5[%mul3A_35, %dma_wait3A_37] : memref<16384x1024xf32, #tpu.memory_space<hbm>> -> memref<32x1024xf32, #tpu.memory_space<hbm>>
    tpu.wait_dma2 semaphore(%arg13 : memref<!tpu.dma_semaphore, #tpu.memory_space<semaphore_mem>>) src(%arg6 : memref<32x1024xf32, #tpu.memory_space<vmem>>) dst(%dma_wait3A_38 : memref<32x1024xf32, #tpu.memory_space<hbm>>)
    %add3A_39 = arith.constant 15 : i32
    %add3A_40 = arith.addi %mul3A_2, %add3A_39 : i32
    %mul3A_41 = arith.constant 32 : i32
    %mul3A_42 = arith.muli %add3A_40, %mul3A_41 : i32
    %dma_wait3A_43 = arith.constant 0 : i32
    %dma_wait3A_44 = tpu.memref_slice %arg5[%mul3A_42, %dma_wait3A_43] : memref<16384x1024xf32, #tpu.memory_space<hbm>> -> memref<32x1024xf32, #tpu.memory_space<hbm>>
    %dma_wait3A_45 = arith.constant 0 : i32
    %dma_wait3A_46 = tpu.memref_slice %arg5[%mul3A_42, %dma_wait3A_45] : memref<16384x1024xf32, #tpu.memory_space<hbm>> -> memref<32x1024xf32, #tpu.memory_space<hbm>>
    tpu.wait_dma2 semaphore(%arg14 : memref<!tpu.dma_semaphore, #tpu.memory_space<semaphore_mem>>) src(%arg7 : memref<32x1024xf32, #tpu.memory_space<vmem>>) dst(%dma_wait3A_46 : memref<32x1024xf32, #tpu.memory_space<hbm>>)
    return
  }
}

</mosaic_0001>

<sc_bundles>
// kernel: kernel.3.cloned.1.call-start
scs
__scs_entry_jumppad:
0x0: {  	(pc) =	sbr.rel $0x88, $3  }
0x1: {  	(tag) =	ssettag $0x0;
	lr =	simm.s32 $0x1  }
0x2: {  	[smem:$0x3F9E] =	sst lr;
	_ =	strace $0xD0000000  }
0x3: {  	_ = 	snop  }
0x4: {  	_ = 	snop  }
0x5: {  	_ = 	snop  }
0x6: {  	_ = 	snop  }
0x7: {  	_ = 	snop  }
__scs_overlays_trampoline_lowered:
0x8: {  	[smem:$0x3FAD] =	sst s0  }
0x9: {  	[smem:$0x3FAE] =	sst s1  }
0xa: {  	[smem:$0x3FAF] =	sst s2  }
0xb: {  	[smem:$0x3FB0] =	sst s3  }
0xc: {  	[smem:$0x3FB1] =	sst s4  }
0xd: {  	[smem:$0x3FB2] =	sst s5  }
0xe: {  	[smem:$0x3FB3] =	sst s6  }
0xf: {  	[smem:$0x3FB4] =	sst s7  }
0x10: {  	[smem:$0x3FB5] =	sst s8  }
0x11: {  	[smem:$0x3FB6] =	sst s9;
	s0 =	simm.s32 @!p0 $0x0  }
0x12: {  	s1 =	sld [smem:$0x3F9C];
	s0 =	simm.s32 @p0 $0x1  }
0x13: {  	[smem:$0x3FB7] =	sst s0;
	s0 =	simm.s32 @!p1 $0x0  }
0x14: {  	s2 =	sld [smem:$0x3F9B];
	s0 =	simm.s32 @p1 $0x1  }
0x15: {  	[smem:$0x3FB8] =	sst s0;
	s0 =	simm.s32 @!p2 $0x0  }
0x16: {  	s3 =	sld [smem:$0x3FDB];
	s0 =	simm.s32 @p2 $0x1  }
0x17: {  	s4 =	simm.s32 $0x1BF5;
	[smem:$0x3FBA] =	sst s0  }
0x18: {  	s0 =	sld [smem:$0x3F9D];
	_ =	swait.ge [sflag:s4], $0x0  }
0x19: {  	s7 =	sld [smem:$0x3F9E]  }
0x1a: {  	s8 =	sadd.s32 $0xFFFFE003, lr  }
0x1b: {  	s9 =	sadd.s32 $0xFFFFFEF7, lr;
	s5 =	simm.s32 $0xFFFFFFFF;
	p2 =	slt.u32 s8, $0xFFFFF086  }
0x1c: {  	p1 =	slt.u32 s9, $0xF7A;
	s5 =	simm.s32 @!p2 $0x0  }
0x1d: {  	s5 =	simm.s32 @p1 $0x1;
	p0 =	seq.s32 s7, s2  }
0x1e: {  	s7 =	smul.u32 @!p0 $0xF7A, s2;
	p2 =	seq.s32 @!p0 s5, $0x0  }
0x1f: {  	s9 =	smul.u32 $0xF7A, s1;
	s8 =	simm.s32 @!p0 $0x1BF5;
	p2 =	por !p2, p0  }
0x20: {  	[sflag:s8] =	ssyncset.s32 @!p0 $0xFFFFF086;
	s6 =	sadd.s32 @!p0 s3, s7;
	s7 =	simm.s32 @!p0 $0x108  }
0x21: {  	s3 =	sadd.s32 s3, s9;
	s6 =	sadd.s32 @!p0 $0x88, s6;
	s7 =	simm.s32 @p2 $0x1082  }
0x22: {  	[simem:s7], [sflag:s8] =	dma.local @!p0 [hbm:s6], $0xF7A  }
0x23: {  	s9 =	sor.u32 $0xD0000000, s2;
	s6 =	simm.s32 $0x108;
	_ =	swait.ge @!p0 [sflag:s8], $0x0  }
0x24: {  	s3 =	sadd.s32 $0x88, s3;
	s6 =	simm.s32 @!p1 $0x1082;
	[sflag:s4] =	ssyncset.s32 $0xFFFFF086  }
0x25: {  	[simem:s6], [sflag:s4] =	dma.local [hbm:s3], $0xF7A  }
0x26: {  	[smem:$0x3F9E] =	sst s1;
	(tag) =	ssettag s2;
	_ =	strace s9  }
0x27: {  	s1 =	sld [smem:$0x3FAE]  }
0x28: {  	s2 =	sld [smem:$0x3FAF]  }
0x29: {  	s4 =	sld [smem:$0x3FB1]  }
0x2a: {  	p0 =	seq.s32 s5, $0x0;
	s5 =	sld [smem:$0x3FB2]  }
0x2b: {  	s6 =	sld [smem:$0x3FB3]  }
0x2c: {  	s7 =	sld [smem:$0x3FB4]  }
0x2d: {  	s3 =	simm.s32 $0x108;
	s8 =	sld [smem:$0x3FB5]  }
0x2e: {  	s3 =	simm.s32 @!p0 $0x1082;
	s9 =	sld [smem:$0x3FB6]  }
0x2f: {  	lr =	sadd.s32 s0, s3;
	s0 =	sld [smem:$0x3FAD]  }
0x30: {  	s3 =	sld [smem:$0x3FB0]  }
0x31: {  	[smem:$0x3FB9] =	sst s10  }
0x32: {  	s10 =	sld [smem:$0x3FB7];
	_ =	sdelay $0x3  }
0x33: {  	p0 =	seq.s32 s10, $0x1;
	s10 =	sld [smem:$0x3FB9];
	_ =	sdelay $0x3  }
0x34: {  	[smem:$0x3FB9] =	sst s10  }
0x35: {  	s10 =	sld [smem:$0x3FB8];
	_ =	sdelay $0x3  }
0x36: {  	p1 =	seq.s32 s10, $0x1;
	s10 =	sld [smem:$0x3FB9];
	_ =	sdelay $0x3  }
0x37: {  	[smem:$0x3FB9] =	sst s10  }
0x38: {  	s10 =	sld [smem:$0x3FBA]  }
0x39: {  	_ = 	snop;
	(pc) =	sbr.ind lr, $3  }
0x3a: {  	_ = 	snop  }
0x3b: {  	_ = 	snop  }
0x3c: {  	p2 =	seq.s32 s10, $0x1;
	s10 =	sld [smem:$0x3FB9]  }
0x3d: {  	_ =	shalt  }
0x3e: {  	_ =	shalt  }
0x3f: {  	_ =	shalt  }
0x40: {  	_ =	shalt  }
0x41: {  	_ =	shalt  }
0x42: {  	_ =	shalt  }
0x43: {  	_ =	shalt  }
0x44: {  	_ =	shalt  }
0x45: {  	_ =	shalt  }
0x46: {  	_ =	shalt  }
0x47: {  	_ =	shalt  }
0x48: {  	_ =	shalt  }
0x49: {  	_ =	shalt  }
0x4a: {  	_ =	shalt  }
0x4b: {  	_ =	shalt  }
0x4c: {  	_ =	shalt  }
0x4d: {  	_ =	shalt  }
0x4e: {  	_ =	shalt  }
0x4f: {  	_ =	shalt  }
0x50: {  	_ =	shalt  }
0x51: {  	_ =	shalt  }
0x52: {  	_ =	shalt  }
0x53: {  	_ =	shalt  }
0x54: {  	_ =	shalt  }
0x55: {  	_ =	shalt  }
0x56: {  	_ =	shalt  }
0x57: {  	_ =	shalt  }
0x58: {  	_ =	shalt  }
0x59: {  	_ =	shalt  }
0x5a: {  	_ =	shalt  }
0x5b: {  	_ =	shalt  }
0x5c: {  	_ =	shalt  }
0x5d: {  	_ =	shalt  }
0x5e: {  	_ =	shalt  }
0x5f: {  	_ =	shalt  }
0x60: {  	_ =	shalt  }
0x61: {  	_ =	shalt  }
0x62: {  	_ =	shalt  }
0x63: {  	_ =	shalt  }
0x64: {  	_ =	shalt  }
0x65: {  	_ =	shalt  }
0x66: {  	_ =	shalt  }
0x67: {  	_ =	shalt  }
0x68: {  	_ =	shalt  }
0x69: {  	_ =	shalt  }
0x6a: {  	_ =	shalt  }
0x6b: {  	_ =	shalt  }
0x6c: {  	_ =	shalt  }
0x6d: {  	_ =	shalt  }
0x6e: {  	_ =	shalt  }
0x6f: {  	_ =	shalt  }
0x70: {  	_ =	shalt  }
0x71: {  	_ =	shalt  }
0x72: {  	_ =	shalt  }
0x73: {  	_ =	shalt  }
0x74: {  	_ =	shalt  }
0x75: {  	_ =	shalt  }
0x76: {  	_ =	shalt  }
0x77: {  	_ =	shalt  }
0x78: {  	_ =	shalt  }
0x79: {  	_ =	shalt  }
0x7a: {  	_ =	shalt  }
0x7b: {  	_ =	shalt  }
0x7c: {  	_ =	shalt  }
0x7d: {  	_ =	shalt  }
0x7e: {  	_ =	shalt  }
0x7f: {  	_ =	shalt  }
0x80: {  	_ =	shalt  }
0x81: {  	_ =	shalt  }
0x82: {  	_ =	shalt  }
0x83: {  	_ =	shalt  }
0x84: {  	_ =	shalt  }
0x85: {  	_ =	shalt  }
0x86: {  	_ =	shalt  }
0x87: {  	_ =	shalt  }
.Lfunc_end0:
.L_simem_size_0:
called_computation_lowered:
.L_overlay_start_0:
0x88: {  	s2 =	sld [smem:$0x3FD9]  }
0x89: {  	s3 =	sld [smem:$0x3FFE];
	_ =	sdelay $0x1  }
0x8a: {  	s1 =	srdreg.scid  }
0x8b: {  	s0 =	sand.u32 $0x1, s1  }
0x8c: {  	s17 =	sshll.u32 s0, $0xA;
	s2 =	sadd.s32 s3, s2  }
0x8d: {  	s2 =	sadd.s32 s2, s17  }
0x8e: {  	[smem:$0x3FC5] =	sst s2  }
0x8f: {  	_ = 	snop  }
0x90: {  	s2 =	sld [smem:$0x3FC9]  }
0x91: {  	s18 =	sld [smem:$0x3FC8]  }
0x92: {  	s4 =	sld [smem:$0x3FD0];
	(tm) =	ssettm $0x1  }
0x93: {  	s5 =	sld [smem:$0x3FFB];
	_ =	sdelay $0x3  }
0x94: {  	_ =	strace s5  }
0x95: {  	s5 =	sld [smem:$0x3FFC];
	_ =	sdelay $0x3  }
0x96: {  	_ =	strace s5  }
0x97: {  	s5 =	sld [smem:$0x3FFD];
	_ =	sdelay $0x3  }
0x98: {  	_ =	strace s5  }
0x99: {  	_ =	strace $0x8FFFFFFF  }
0x9a: {  	s19 =	sld [smem:$0x3FDB];
	_ =	sdelay $0x1  }
0x9b: {  	s6 =	simm.s32 $_scs_section_size  }
0x9c: {  	s7 =	simm.s32 $_size__tile_overlayer_lowered;
	s8 =	simm.s32 $_tile_overlayer_lowered  }
0x9d: {  	s22 =	simm.s32 $0x1BFF;
	s21 =	sshll.u32 s8, $0x1;
	s5 =	sadd.s32 s6, s19  }
0x9e: {  	s9 =	simm.s32 $0x0;
	s20 =	sshll.u32 s7, $0x1;
	s7 =	sadd.s32 s21, s5  }
0x9f: {  	[timem:s9], [sflag:s22] =	dma.local [hbm:s7], s20  }
0xa0: {  	_ =	swait.ge [sflag:s22], s20  }
0xa1: {  	s6 =	ssub.s32 $0x0, s20;
	[sflag:s22] =	ssyncset.done $0x0  }
0xa2: {  	[sflag:s22] =	ssyncadd.s32 s6;
	_ =	sdelay $0x1  }
0xa3: {  	s23 =	simm.s32 $0x1B8B  }
0xa4: {  	_ =	swait.ge [sflag:s23], $0x1  }
0xa5: {  	[sflag:s23] =	ssyncset.done $0x0  }
0xa6: {  	s25 =	simm.s32 $0x1B8E;
	s24 =	sld [smem:$0x3FFE];
	[sflag:s23] =	ssyncadd.s32 $0xFFFFFFFF  }
0xa7: {  	s26 =	simm.s32 $execute0_lowered;
	[smem:$0x3FD2] =	sst s25  }
0xa8: {  	s7 =	sshll.u32 s26, $0x1;
	_ =	strace $0x80000046;
	[dreg:$0x1] =	wrdreg $0xFFFFFFFF  }
0xa9: {  	s28 =	simm.s32 $_size_execute0_lowered;
	s5 =	sadd.s32 s5, s7;
	[dreg:$0x0] =	wrdreg $0x0  }
0xaa: {  	s7 =	sshll.u32 s28, $0x1;
	[dreg:$0x2] =	wrdreg s5  }
0xab: {  	[dreg:$0x3] =	wrdreg s7  }
0xac: {  	[dreg:$0x4] =	wrdreg $0xC0  }
0xad: {  	_ =	task [dreg:s9], $0x5FFFF  }
0xae: {  	[dreg:$0x1] =	wrdreg $0xFFFFFFFF  }
0xaf: {  	[dreg:$0x0] =	wrdreg $0x60  }
0xb0: {  	[dreg:$0x2] =	wrdreg s2  }
0xb1: {  	[dreg:$0x3] =	wrdreg s18  }
0xb2: {  	[dreg:$0x4] =	wrdreg s24  }
0xb3: {  	[dreg:$0x5] =	wrdreg s4  }
0xb4: {  	[dreg:$0x6] =	wrdreg $0x9  }
0xb5: {  	_ =	task.clear_ibuf [dreg:s9], $0x7FFFF;
	_ =	strace $0x90000046  }
0xb6: {  	s29 =	simm.s32 $0x9;
	_ =	strace $0x80000048  }
0xb7: {  	_ =	swait.ge [sflag:s29], $0x1  }
0xb8: {  	[sflag:s29] =	ssyncadd.s32 $0xFFFFFFFF  }
0xb9: {  	_ =	strace $0x90000048  }
0xba: {  	_ =	sfence  }
0xbb: {  	s30 =	sld [smem:$0x0];
	_ =	sdelay $0x2  }
0xbc: {  	s31 =	sshll.u32 s1, $0xD;
	s1 =	sshrl.u32 s1, $0x2  }
0xbd: {  	s3 =	sand.u32 $0x4000, s31;
	s1 =	sadd.s32 s1, s30  }
0xbe: {  	s0 =	sor.u32 s3, s0;
	s1 =	sshll.u32 s1, $0x11  }
0xbf: {  	s0 =	sor.u32 s1, s0  }
0xc0: {  	s0 =	sadd.s32 $0x8F2B, s0  }
0xc1: {  	[sflag:s0] =	ssyncadd.remote.s32 $0x1  }
0xc2: {  	_ =	sfence.sel $0xFFFF  }
0xc3: {  	[dreg:$0x0] =	wrdreg $0xFFFFFFFF;
	(pc) =	sbr.abs _section_cstart, $3  }
0xc4: {  	[dreg:$0x1] =	wrdreg $0xFFFFFFFF  }
0xc5: {  	_ =	task.clear_ibuf [dreg:s9], $0x2FFFF;
	_ =	strace $0x9FFFFFFF  }
0xc6: {  	(tm) =	ssettm $0x7FFFFFFF  }
0xc7: {  	_ =	shalt  }
tec
execute0_lowered:
.L_overlay_start_1:
0x0: {  	(tag) =	ssettag $0x1  }
0x1: {  	s1 =	rddreg [dreg:$0x0]  }
0x2: {  	s2 =	rddreg [dreg:$0x1]  }
0x3: {  	s6 =	rddreg [dreg:$0x2]  }
0x4: {  	s3 =	rddreg [dreg:$0x3]  }
0x5: {  	s0 =	rddreg [dreg:$0x4];
	s5 =	simm.s32 $0x0;
	s7 =	srdreg.scid  }
0x6: {  	s4 =	stileid.u32;
	s14 =	simm.s32 $0x10000;
	s15 =	simm.s32 $0x8000  }
0x7: {  	s16 =	simm.s32 $0x11000;
	s17 =	simm.s32 $0x12000;
	s18 =	simm.s32 $0x5  }
0x8: {  	s19 =	simm.s32 $0x1;
	s20 =	simm.s32 $0x2;
	s21 =	simm.s32 $0x3  }
0x9: {  	s22 =	simm.s32 $0x4;
	s23 =	simm.s32 $0x0;
	[smem:$0x7FF] =	sst s5  }
0xa: {  	s7 =	sand.u32 $0x1, s7;
	s9 =	sshll.u32 s4, $0x1;
	s6 =	sadd.s32 $0x400, s6  }
0xb: {  	_ =	strace $0x80000047;
	s8 =	ssub.s32 $0x2, s7;
	s9 =	sor.u32 s7, s9  }
0xc: {  	s10 =	sshrl.u32 s8, $0x1;
	s30 =	sshll.u32 s9, $0x10;
	s31 =	sshll.u32 s9, $0x6  }
0xd: {  	s7 =	sshll.u32 s9, $0x4;
	s9 =	sshll.u32 s9, $0xD;
	s13 =	ssub.s32 s8, s10  }
0xe: {  	s8 =	sadd.s32 s1, s30;
	s10 =	sor.u32 $0x4, s31;
	s9 =	sadd.s32 s2, s9  }
0xf: {  	s11 =	sshll.u32 s10, $0xA;
	s12 =	sshll.u32 s10, $0x7;
	s13 =	smax.u32 s13, $0x1  }
0x10: {  	s10 =	sadd.s32 s1, s11;
	s11 =	sadd.s32 s2, s12;
	s12 =	sor.u32 $0x2, s7  }
.LBB2_1:
0x11: {  	[tilespmem:s5], [sflag:$0x1] =	stream.linear.gather [hbm4b:s8+s5], $0x8000, $0x38;
	[tilespmem:$0x12080] =	vst v63  }
0x12: {  	_ = 	snop  }
0x13: {  	[tilespmem:s14], [sflag:$0x1] =	stream.linear.gather [hbm4b:s9+s5], $0x1000, $0x38;
	[tilespmem:$0x12080] =	vst v63  }
0x14: {  	_ = 	snop  }
0x15: {  	[tilespmem:s15], [sflag:$0x2] =	stream.linear.gather [hbm4b:s10+s5], $0x8000, $0x38;
	[tilespmem:$0x12080] =	vst v63  }
0x16: {  	_ = 	snop  }
0x17: {  	[tilespmem:s16], [sflag:$0x2] =	stream.linear.gather [hbm4b:s11+s5], $0x1000, $0x38;
	[tilespmem:$0x12080] =	vst v63  }
0x18: {  	_ = 	snop  }
0x19: {  	[tilespmem:s17], [sflag:$0x5] =	stream.linear.gather [hbm4b:s6+s5], $0x80, $0x38;
	[tilespmem:$0x12080] =	vst v63  }
0x1a: {  	_ =	swait.ge [sflag:s18], $0x80  }
0x1b: {  	[sflag:s18] =	ssyncset.done $0x0  }
0x1c: {  	[sflag:s18] =	ssyncadd.s32 $0xFFFFFF80  }
0x1d: {  	s24 =	simm.s32 $0x0;
	v0 =	vld [tilespmem:$0x12000]  }
.LBB2_2:
0x1e: {  	p0 =	seq.s32 s24, $0x0  }
0x1f: {  	s25 =	sshllo.u32 s24, $0x1;
	s26 =	simm.s32 @!p0 $0x4  }
0x20: {  	s28 =	sor.u32 @!p0 s7, s25;
	_ =	swait.ge @!p0 [sflag:s26], $0x8000  }
0x21: {  	s29 =	sshll.u32 @!p0 s28, $0xC;
	[sflag:s26] =	ssyncset.done @!p0 $0x0  }
0x22: {  	[sflag:s26] =	ssyncadd.s32 @!p0 $0xFFFF8000;
	s26 =	sand.u32 @!p0 $0x1FFFF000, s29  }
0x23: {  	s30 =	simm.s32 @!p0 $0x8000;
	s29 =	simm.s32 @!p0 $0x0;
	s26 =	sadd.s32 @!p0 s1, s26  }
0x24: {  	[tilespmem:s30], [sflag:$0x2] =	stream.linear.gather @!p0 [hbm4b:s26+s29], $0x8000, $0x38;
	[tilespmem:$0x12080] =	vst v63  }
0x25: {  	s26 =	sshll.u32 @!p0 s28, $0x9  }
0x26: {  	s26 =	sand.u32 @!p0 $0x1FFFFE00, s26  }
0x27: {  	s28 =	simm.s32 @!p0 $0x11000;
	s26 =	sadd.s32 @!p0 s2, s26  }
0x28: {  	[tilespmem:s28], [sflag:$0x2] =	stream.linear.gather @!p0 [hbm4b:s26+s29], $0x1000, $0x38;
	[tilespmem:$0x12080] =	vst v63  }
0x29: {  	_ =	swait.ge [sflag:s19], $0x8000  }
0x2a: {  	[sflag:s19] =	ssyncset.done $0x0  }
0x2b: {  	[sflag:s19] =	ssyncadd.s32 $0xFFFF8000  }
0x2c: {  	_ =	swait.ge [sflag:s19], $0x1000  }
0x2d: {  	[sflag:s19] =	ssyncset.done $0x0  }
0x2e: {  	s28 =	simm.s32 $0x10040;
	[sflag:s19] =	ssyncadd.s32 $0xFFFFF000  }
0x2f: {  	v1 =	vld [tilespmem:s28+$0x30]  }
0x30: {  	v2 =	vld [tilespmem:s28+$0xFFFFFFC0]  }
0x31: {  	v10 =	vld [tilespmem:s28+$0xFFFFFFD0]  }
0x32: {  	v12 =	vld [tilespmem:s28+$0xFFFFFFF0]  }
0x33: {  	s26 =	simm.s32 $0x0;
	v16 =	vld [tilespmem:s28+$0x10]  }
0x34: {  	v3 =	vmov s26  }
0x35: {  	v4 =	vshll.u32 v3, $0xA;
	v3 =	vshll.u32 v3, $0x7;
	v17 =	vld [tilespmem:s28+$0x20]  }
0x36: {  	v14 =	vand.u32 $0x6000, v4;
	v11 =	vld [tilespmem:s28+$0xFFFFFFE0];
	v5 =	vshll.u32 v1, $0x3;
	v4 =	vshll.u32 v2, $0x3  }
0x37: {  	v6 =	vand.u32 $0x7F, v1;
	v1 =	vand.u32 $0x380, v3;
	v3 =	vshll.u32 v10, $0x3  }
0x38: {  	v13 =	vld [tilespmem:s28+$0x0];
	v7 =	vshll.u32 v12, $0x3;
	v8 =	vshll.u32 v16, $0x3;
	v9 =	vand.u32 $0x7F, v2  }
0x39: {  	v5 =	vand.u32 $0xFFFFFC00, v5;
	v4 =	vand.u32 $0xFFFFFC00, v4;
	v7 =	vand.u32 $0xFFFFFC00, v7  }
0x3a: {  	v19 =	vand.u32 $0xFFFFFC00, v8;
	v8 =	vshll.u32 v17, $0x3;
	v5 =	vadd.s32 v14, v5  }
0x3b: {  	v20 =	vand.u32 $0xFFFFFC00, v8;
	v5 =	vor.u32 v6, v5;
	v6 =	vshll.u32 v11, $0x3  }
0x3c: {  	v2 =	vadd.s32 v14, v20;
	v18 =	vor.u32 v1, v5;
	v5 =	vand.u32 $0xFFFFFC00, v3  }
0x3d: {  	v3 =	vshll.u32 v13, $0x3;
	v6 =	vand.u32 $0xFFFFFC00, v6;
	v13 =	vand.u32 $0x7F, v13  }
0x3e: {  	v15 =	vand.u32 $0xFFFFFC00, v3;
	v3 =	vadd.s32 v14, v4;
	v4 =	vadd.s32 v14, v5  }
0x3f: {  	v8 =	vadd.s32 v14, v6;
	v5 =	vadd.s32 v14, v7;
	v6 =	vadd.s32 v14, v19  }
0x40: {  	v7 =	vadd.s32 v14, v15;
	v15 =	vand.u32 $0x7F, v10;
	v14 =	vand.u32 $0x7F, v11  }
0x41: {  	s30 =	simm.s32 $0x100C0;
	s29 =	simm.s32 $0x0;
	s28 =	sshll.u32 s24, $0x1;
	v11 =	vand.u32 $0x7F, v12;
	v12 =	vand.u32 $0x7F, v16;
	v10 =	vand.u32 $0x7F, v17;
	[tilespmem:v18+s5+$0x0] =	vst.idx.msk $0xffff, v0  }
.LBB2_3:
0x42: {  	v16 =	vld [tilespmem:s30+$0x30];
	s29 =	sadd.s32 $0x8, s29;
	v3 =	vor.u32 v9, v3;
	v4 =	vor.u32 v15, v4;
	v8 =	vor.u32 v14, v8  }
0x43: {  	v5 =	vor.u32 v11, v5;
	v7 =	vor.u32 v13, v7;
	v6 =	vor.u32 v12, v6;
	v9 =	vld [tilespmem:s30+$0xFFFFFFC0];
	p0 =	slt.u32 s29, $0xF8  }
0x44: {  	v2 =	vor.u32 v10, v2;
	v3 =	vor.u32 v1, v3;
	v4 =	vor.u32 v1, v4;
	v11 =	vld [tilespmem:s30+$0xFFFFFFD0]  }
0x45: {  	s26 =	sadd.s32 $0x1, s26;
	v8 =	vor.u32 v1, v8;
	v5 =	vor.u32 v1, v5;
	v7 =	vor.u32 v1, v7;
	v10 =	vld [tilespmem:s30+$0xFFFFFFE0]  }
0x46: {  	v12 =	vmov s26;
	v6 =	vor.u32 v1, v6;
	v2 =	vor.u32 v1, v2;
	v13 =	vld [tilespmem:s30+$0xFFFFFFF0]  }
0x47: {  	v1 =	vshll.u32 v12, $0xA;
	v17 =	vld [tilespmem:s30+$0x0];
	v14 =	vshll.u32 v16, $0x3  }
0x48: {  	v15 =	vand.u32 $0x6000, v1;
	v18 =	vshll.u32 v9, $0x3;
	v19 =	vld [tilespmem:s30+$0x10];
	v1 =	vand.u32 $0xFFFFFC00, v14  }
0x49: {  	v12 =	vshll.u32 v12, $0x7;
	v14 =	vand.u32 $0x7F, v16;
	v20 =	vld [tilespmem:s30+$0x20];
	v16 =	vadd.s32 v15, v1;
	[tilespmem:v3+s5+$0x0] =	vst.idx.msk $0xffff, v0  }
0x4a: {  	v1 =	vand.u32 $0x380, v12;
	v3 =	vshll.u32 v11, $0x3;
	v12 =	vor.u32 v14, v16;
	[tilespmem:v4+s5+$0x0] =	vst.idx.msk $0xffff, v0  }
0x4b: {  	v4 =	vshll.u32 v10, $0x3;
	v14 =	vshll.u32 v13, $0x3;
	v12 =	vor.u32 v1, v12;
	[tilespmem:v8+s5+$0x0] =	vst.idx.msk $0xffff, v0  }
0x4c: {  	v16 =	vand.u32 $0xFFFFFC00, v3;
	v8 =	vand.u32 $0xFFFFFC00, v18;
	v3 =	vshll.u32 v17, $0x3;
	[tilespmem:v5+s5+$0x0] =	vst.idx.msk $0xffff, v0  }
0x4d: {  	v5 =	vand.u32 $0xFFFFFC00, v4;
	v14 =	vand.u32 $0xFFFFFC00, v14;
	v4 =	vshll.u32 v19, $0x3;
	[tilespmem:v7+s5+$0x0] =	vst.idx.msk $0xffff, v0  }
0x4e: {  	v7 =	vand.u32 $0xFFFFFC00, v3;
	v18 =	vand.u32 $0xFFFFFC00, v4;
	v21 =	vshll.u32 v20, $0x3;
	[tilespmem:v6+s5+$0x0] =	vst.idx.msk $0xffff, v0  }
.Ltmp0:
0x4f: {  	v3 =	vadd.s32 v15, v8;
	v4 =	vadd.s32 v15, v16;
	v16 =	vand.u32 $0xFFFFFC00, v21;
	[tilespmem:v2+s5+$0x0] =	vst.idx.msk $0xffff, v0;
	(pc) =	sbr.rel @p0 .LBB2_3-.Ltmp0, $4  }
0x50: {  	v9 =	vand.u32 $0x7F, v9;
	v8 =	vadd.s32 v15, v5;
	v5 =	vadd.s32 v15, v14;
	[tilespmem:v12+s5+$0x0] =	vst.idx.msk $0xffff, v0  }
0x51: {  	v7 =	vadd.s32 v15, v7;
	v6 =	vadd.s32 v15, v18;
	v2 =	vadd.s32 v15, v16  }
0x52: {  	v14 =	vand.u32 $0x7F, v10;
	v15 =	vand.u32 $0x7F, v11;
	v11 =	vand.u32 $0x7F, v13  }
0x53: {  	s30 =	sadd.s32 $0x80, s30;
	v10 =	vand.u32 $0x7F, v20;
	v13 =	vand.u32 $0x7F, v17;
	v12 =	vand.u32 $0x7F, v19  }
0x54: {  	v3 =	vor.u32 v9, v3  }
0x55: {  	v4 =	vor.u32 v15, v4;
	v3 =	vor.u32 v1, v3  }
0x56: {  	v8 =	vor.u32 v14, v8;
	v4 =	vor.u32 v1, v4  }
0x57: {  	v5 =	vor.u32 v11, v5;
	v8 =	vor.u32 v1, v8  }
0x58: {  	v7 =	vor.u32 v13, v7;
	v5 =	vor.u32 v1, v5  }
0x59: {  	v6 =	vor.u32 v12, v6;
	v7 =	vor.u32 v1, v7  }
0x5a: {  	v2 =	vor.u32 v10, v2;
	v6 =	vor.u32 v1, v6;
	[tilespmem:v3+s5+$0x0] =	vst.idx.msk $0xffff, v0  }
0x5b: {  	v1 =	vor.u32 v1, v2;
	[tilespmem:v4+s5+$0x0] =	vst.idx.msk $0xffff, v0  }
0x5c: {  	[tilespmem:v8+s5+$0x0] =	vst.idx.msk $0xffff, v0  }
0x5d: {  	[tilespmem:v5+s5+$0x0] =	vst.idx.msk $0xffff, v0  }
0x5e: {  	s26 =	sadd.s32 s7, s28;
	[tilespmem:v7+s5+$0x0] =	vst.idx.msk $0xffff, v0  }
0x5f: {  	s26 =	sshll.u32 s26, $0xC;
	[tilespmem:v6+s5+$0x0] =	vst.idx.msk $0xffff, v0  }
0x60: {  	p0 =	seq.s32 s24, $0x7;
	s26 =	sadd.s32 s3, s26;
	[tilespmem:v1+s5+$0x0] =	vst.idx.msk $0xffff, v0  }
0x61: {  	[hbm4b:s26+s5] =	stream.linear.scatter [tilespmem:s5], [sflag:$0x3], $0x8000, $0x38;
	[tilespmem:$0x12080] =	vst v63  }
0x62: {  	s28 =	sadd.s32 @!p0 s28, s12;
	s26 =	simm.s32 @!p0 $0x3  }
0x63: {  	s29 =	sshll.u32 @!p0 s28, $0xC;
	_ =	swait.ge @!p0 [sflag:s26], $0x8000  }
0x64: {  	s29 =	sand.u32 @!p0 $0x1FFFE000, s29;
	[sflag:s26] =	ssyncset.done @!p0 $0x0  }
0x65: {  	[sflag:s26] =	ssyncadd.s32 @!p0 $0xFFFF8000;
	s26 =	sadd.s32 @!p0 s1, s29;
	s29 =	simm.s32 @!p0 $0x0  }
0x66: {  	[tilespmem:s29], [sflag:$0x1] =	stream.linear.gather @!p0 [hbm4b:s26+s29], $0x8000, $0x38;
	[tilespmem:$0x12080] =	vst v63  }
0x67: {  	s26 =	sshll.u32 @!p0 s28, $0x9  }
0x68: {  	s26 =	sand.u32 @!p0 $0x1FFFFC00, s26  }
0x69: {  	s28 =	simm.s32 @!p0 $0x10000;
	s26 =	sadd.s32 @!p0 s2, s26  }
0x6a: {  	[tilespmem:s28], [sflag:$0x1] =	stream.linear.gather @!p0 [hbm4b:s26+s29], $0x1000, $0x38;
	[tilespmem:$0x12080] =	vst v63  }
0x6b: {  	_ =	swait.ge [sflag:s20], $0x8000  }
0x6c: {  	[sflag:s20] =	ssyncset.done $0x0  }
0x6d: {  	[sflag:s20] =	ssyncadd.s32 $0xFFFF8000  }
0x6e: {  	_ =	swait.ge [sflag:s20], $0x1000  }
0x6f: {  	[sflag:s20] =	ssyncset.done $0x0  }
0x70: {  	s28 =	simm.s32 $0x11040;
	[sflag:s20] =	ssyncadd.s32 $0xFFFFF000  }
0x71: {  	v1 =	vld [tilespmem:s28+$0x30]  }
0x72: {  	v2 =	vld [tilespmem:s28+$0xFFFFFFC0]  }
0x73: {  	v10 =	vld [tilespmem:s28+$0xFFFFFFD0]  }
0x74: {  	v12 =	vld [tilespmem:s28+$0xFFFFFFF0]  }
0x75: {  	s26 =	simm.s32 $0x0;
	v16 =	vld [tilespmem:s28+$0x10]  }
0x76: {  	v3 =	vmov s26  }
0x77: {  	v4 =	vshll.u32 v3, $0xA;
	v3 =	vshll.u32 v3, $0x7;
	v17 =	vld [tilespmem:s28+$0x20]  }
0x78: {  	v14 =	vand.u32 $0x6000, v4;
	v11 =	vld [tilespmem:s28+$0xFFFFFFE0];
	v5 =	vshll.u32 v1, $0x3;
	v4 =	vshll.u32 v2, $0x3  }
0x79: {  	v6 =	vand.u32 $0x7F, v1;
	v1 =	vand.u32 $0x380, v3;
	v3 =	vshll.u32 v10, $0x3  }
0x7a: {  	v13 =	vld [tilespmem:s28+$0x0];
	v7 =	vshll.u32 v12, $0x3;
	v8 =	vshll.u32 v16, $0x3;
	v9 =	vand.u32 $0x7F, v2  }
0x7b: {  	v5 =	vand.u32 $0xFFFFFC00, v5;
	v4 =	vand.u32 $0xFFFFFC00, v4;
	v7 =	vand.u32 $0xFFFFFC00, v7  }
0x7c: {  	v19 =	vand.u32 $0xFFFFFC00, v8;
	v8 =	vshll.u32 v17, $0x3;
	v5 =	vadd.s32 v14, v5  }
0x7d: {  	v20 =	vand.u32 $0xFFFFFC00, v8;
	v5 =	vor.u32 v6, v5;
	v6 =	vshll.u32 v11, $0x3  }
0x7e: {  	v2 =	vadd.s32 v14, v20;
	v18 =	vor.u32 v1, v5;
	v5 =	vand.u32 $0xFFFFFC00, v3  }
0x7f: {  	v3 =	vshll.u32 v13, $0x3;
	v6 =	vand.u32 $0xFFFFFC00, v6;
	v13 =	vand.u32 $0x7F, v13  }
0x80: {  	v15 =	vand.u32 $0xFFFFFC00, v3;
	v3 =	vadd.s32 v14, v4;
	v4 =	vadd.s32 v14, v5  }
0x81: {  	v8 =	vadd.s32 v14, v6;
	v5 =	vadd.s32 v14, v7;
	v6 =	vadd.s32 v14, v19  }
0x82: {  	v7 =	vadd.s32 v14, v15;
	v15 =	vand.u32 $0x7F, v10;
	v14 =	vand.u32 $0x7F, v11  }
0x83: {  	s29 =	simm.s32 $0x110C0;
	s28 =	simm.s32 $0x0;
	v11 =	vand.u32 $0x7F, v12;
	v12 =	vand.u32 $0x7F, v16;
	v10 =	vand.u32 $0x7F, v17;
	[tilespmem:v18+s15+$0x0] =	vst.idx.msk $0xffff, v0  }
.LBB2_5:
0x84: {  	v16 =	vld [tilespmem:s29+$0x30];
	s28 =	sadd.s32 $0x8, s28;
	v3 =	vor.u32 v9, v3;
	v4 =	vor.u32 v15, v4;
	v8 =	vor.u32 v14, v8  }
0x85: {  	v5 =	vor.u32 v11, v5;
	v7 =	vor.u32 v13, v7;
	v6 =	vor.u32 v12, v6;
	v9 =	vld [tilespmem:s29+$0xFFFFFFC0];
	p0 =	slt.u32 s28, $0xF8  }
0x86: {  	v2 =	vor.u32 v10, v2;
	v3 =	vor.u32 v1, v3;
	v4 =	vor.u32 v1, v4;
	v11 =	vld [tilespmem:s29+$0xFFFFFFD0]  }
0x87: {  	s26 =	sadd.s32 $0x1, s26;
	v8 =	vor.u32 v1, v8;
	v5 =	vor.u32 v1, v5;
	v7 =	vor.u32 v1, v7;
	v10 =	vld [tilespmem:s29+$0xFFFFFFE0]  }
0x88: {  	v12 =	vmov s26;
	v6 =	vor.u32 v1, v6;
	v2 =	vor.u32 v1, v2;
	v13 =	vld [tilespmem:s29+$0xFFFFFFF0]  }
0x89: {  	v1 =	vshll.u32 v12, $0xA;
	v17 =	vld [tilespmem:s29+$0x0];
	v14 =	vshll.u32 v16, $0x3  }
0x8a: {  	v15 =	vand.u32 $0x6000, v1;
	v18 =	vshll.u32 v9, $0x3;
	v19 =	vld [tilespmem:s29+$0x10];
	v1 =	vand.u32 $0xFFFFFC00, v14  }
0x8b: {  	v12 =	vshll.u32 v12, $0x7;
	v14 =	vand.u32 $0x7F, v16;
	v20 =	vld [tilespmem:s29+$0x20];
	v16 =	vadd.s32 v15, v1;
	[tilespmem:v3+s15+$0x0] =	vst.idx.msk $0xffff, v0  }
0x8c: {  	v1 =	vand.u32 $0x380, v12;
	v3 =	vshll.u32 v11, $0x3;
	v12 =	vor.u32 v14, v16;
	[tilespmem:v4+s15+$0x0] =	vst.idx.msk $0xffff, v0  }
0x8d: {  	v4 =	vshll.u32 v10, $0x3;
	v14 =	vshll.u32 v13, $0x3;
	v12 =	vor.u32 v1, v12;
	[tilespmem:v8+s15+$0x0] =	vst.idx.msk $0xffff, v0  }
0x8e: {  	v16 =	vand.u32 $0xFFFFFC00, v3;
	v8 =	vand.u32 $0xFFFFFC00, v18;
	v3 =	vshll.u32 v17, $0x3;
	[tilespmem:v5+s15+$0x0] =	vst.idx.msk $0xffff, v0  }
0x8f: {  	v5 =	vand.u32 $0xFFFFFC00, v4;
	v14 =	vand.u32 $0xFFFFFC00, v14;
	v4 =	vshll.u32 v19, $0x3;
	[tilespmem:v7+s15+$0x0] =	vst.idx.msk $0xffff, v0  }
0x90: {  	v7 =	vand.u32 $0xFFFFFC00, v3;
	v18 =	vand.u32 $0xFFFFFC00, v4;
	v21 =	vshll.u32 v20, $0x3;
	[tilespmem:v6+s15+$0x0] =	vst.idx.msk $0xffff, v0  }
.Ltmp1:
0x91: {  	v3 =	vadd.s32 v15, v8;
	v4 =	vadd.s32 v15, v16;
	v16 =	vand.u32 $0xFFFFFC00, v21;
	[tilespmem:v2+s15+$0x0] =	vst.idx.msk $0xffff, v0;
	(pc) =	sbr.rel @p0 .LBB2_5-.Ltmp1, $4  }
0x92: {  	v9 =	vand.u32 $0x7F, v9;
	v8 =	vadd.s32 v15, v5;
	v5 =	vadd.s32 v15, v14;
	[tilespmem:v12+s15+$0x0] =	vst.idx.msk $0xffff, v0  }
0x93: {  	v7 =	vadd.s32 v15, v7;
	v6 =	vadd.s32 v15, v18;
	v2 =	vadd.s32 v15, v16  }
0x94: {  	v14 =	vand.u32 $0x7F, v10;
	v15 =	vand.u32 $0x7F, v11;
	v11 =	vand.u32 $0x7F, v13  }
0x95: {  	s29 =	sadd.s32 $0x80, s29;
	v10 =	vand.u32 $0x7F, v20;
	v13 =	vand.u32 $0x7F, v17;
	v12 =	vand.u32 $0x7F, v19  }
0x96: {  	v3 =	vor.u32 v9, v3  }
0x97: {  	v4 =	vor.u32 v15, v4;
	v3 =	vor.u32 v1, v3  }
0x98: {  	v8 =	vor.u32 v14, v8;
	v4 =	vor.u32 v1, v4  }
0x99: {  	v5 =	vor.u32 v11, v5;
	v8 =	vor.u32 v1, v8  }
0x9a: {  	v7 =	vor.u32 v13, v7;
	v5 =	vor.u32 v1, v5  }
0x9b: {  	v6 =	vor.u32 v12, v6;
	v7 =	vor.u32 v1, v7  }
0x9c: {  	v2 =	vor.u32 v10, v2;
	v6 =	vor.u32 v1, v6;
	[tilespmem:v3+s15+$0x0] =	vst.idx.msk $0xffff, v0  }
0x9d: {  	s24 =	sadd.s32 $0x1, s24;
	v1 =	vor.u32 v1, v2;
	[tilespmem:v4+s15+$0x0] =	vst.idx.msk $0xffff, v0  }
0x9e: {  	p0 =	sne.s32 s24, $0x8;
	[tilespmem:v8+s15+$0x0] =	vst.idx.msk $0xffff, v0  }
.Ltmp2:
0x9f: {  	s25 =	sadd.s32 s7, s25;
	[tilespmem:v5+s15+$0x0] =	vst.idx.msk $0xffff, v0;
	(pc) =	sbr.rel @p0 .LBB2_2-.Ltmp2, $4  }
0xa0: {  	s25 =	sshll.u32 s25, $0xC;
	[tilespmem:v7+s15+$0x0] =	vst.idx.msk $0xffff, v0  }
0xa1: {  	s25 =	sand.u32 $0x1FFFF000, s25;
	[tilespmem:v6+s15+$0x0] =	vst.idx.msk $0xffff, v0  }
0xa2: {  	s25 =	sadd.s32 s3, s25;
	[tilespmem:v1+s15+$0x0] =	vst.idx.msk $0xffff, v0  }
0xa3: {  	[hbm4b:s25+s5] =	stream.linear.scatter [tilespmem:s15], [sflag:$0x4], $0x8000, $0x38;
	[tilespmem:$0x12080] =	vst v63  }
0xa4: {  	s23 =	sadd.s32 $0x1, s23  }
0xa5: {  	_ =	swait.ge [sflag:s21], $0x8000;
	p0 =	sne.s32 s23, s13  }
.Ltmp3:
0xa6: {  	[sflag:s21] =	ssyncset.done $0x0;
	(pc) =	sbr.rel @p0 .LBB2_1-.Ltmp3, $4  }
0xa7: {  	[sflag:s21] =	ssyncadd.s32 $0xFFFF8000  }
0xa8: {  	_ =	swait.ge [sflag:s22], $0x8000  }
0xa9: {  	[sflag:s22] =	ssyncset.done $0x0  }
0xaa: {  	[sflag:s22] =	ssyncadd.s32 $0xFFFF8000  }
0xab: {  	_ =	sfence.sel $0x180000  }
0xac: {  	[bflag:$0x0] =	sbarrier.arrive $0xFFFF  }
0xad: {  	p0 =	sne.s32 s4, $0x0;
	_ =	strace $0x90000047  }
0xae: {  	s0 =	sadd.s32 @!p0 $0x100000, s0;
	[bflag:$0x2] =	sbarrier.arrive $0xFFFF  }
0xaf: {  	[sflag:s0] =	ssyncadd.tile.s32 @!p0 $0x1;
	_ =	shalt  }
.Lfunc_end2:
_tile_overlayer_lowered:
.L_overlay_start_2:
0xb0: {  	(tag) =	ssettag $0x2  }
0xb1: {  	s0 =	rddreg [dreg:$0x0];
	s2 =	stileid.u32  }
0xb2: {  	s1 =	rddreg [dreg:$0x1];
	p0 =	sne.s32 s2, $0x0  }
0xb3: {  	s3 =	rddreg [dreg:$0x2];
	[bflag:$0x3] =	sbarrier.arrive $0xFFFF;
	s2 =	simm.s32 @!p0 $0x1C05  }
0xb4: {  	[timem:s3], [sflag:s2] =	dma.local @!p0 [hbm:s0], s1  }
0xb5: {  	s0 =	simm.s32 @!p0 $0x5  }
0xb6: {  	_ =	swait.ge @!p0 [sflag:s0], s1  }
0xb7: {  	s1 =	ssub.s32 @!p0 $0x0, s1;
	[sflag:s0] =	ssyncset.done @!p0 $0x0  }
0xb8: {  	[sflag:s0] =	ssyncadd.s32 @!p0 s1  }
0xb9: {  	[bflag:$0x3] =	sbarrier.arrive $0xFFFF  }
0xba: {  	_ =	shalt  }

</sc_bundles>
